<compile_context>
chip_gen: v7x
topology: tpu7x:2x2x1
jax: 0.10.2.dev20260603
libtpu: 0.0.44.dev20260713+nightly
codegen_flags: <defaults>
</compile_context>

<pallas_src>
import functools

import jax
import jax.numpy as jnp
from jax import lax
from jax.experimental import pallas as pl
from jax.experimental.pallas import tpu as pltpu
from jax.experimental.pallas import tpu_sc as plsc

D = 128
NC = 2
NS = 16
NW = NC * NS
CH = 128
NTOT = 6
K = 4


@functools.partial(jax.jit, static_argnums=(0,))
def _gather(nch, idx, table):
    B = NW * nch * CH
    mesh = plsc.VectorSubcoreMesh(core_axis_name="c", subcore_axis_name="s")

    @functools.partial(
        pl.kernel,
        mesh=mesh,
        out_type=jax.ShapeDtypeStruct((B, D), jnp.float32),
        scratch_types=[
            pltpu.VMEM((nch, CH), jnp.int32),
            pltpu.VMEM((NTOT, CH, D), jnp.float32),
            pltpu.SemaphoreType.DMA((NTOT,)),
            pltpu.SemaphoreType.DMA((NTOT,)),
        ],
    )
    def k(table_hbm, idx_hbm, out_hbm, idx_v, rows_v, gsem, osem):
        wid = lax.axis_index("s") * NC + lax.axis_index("c")
        pltpu.sync_copy(idx_hbm.at[wid], idx_v)
        base = wid * (nch * CH)

        def start_g(c):
            b = c % NTOT
            pltpu.async_copy(table_hbm.at[idx_v.at[c]], rows_v.at[b], gsem.at[b])

        def wait_g(c):
            b = c % NTOT
            pltpu.make_async_copy(
                table_hbm.at[idx_v.at[c]], rows_v.at[b], gsem.at[b]
            ).wait()

        def start_w(c):
            b = c % NTOT
            dst = out_hbm.at[pl.ds(base + c * CH, CH)]
            pltpu.async_copy(rows_v.at[b], dst, osem.at[b])

        def wait_w(c):
            b = c % NTOT
            dst = out_hbm.at[pl.ds(base + c * CH, CH)]
            pltpu.make_async_copy(rows_v.at[b], dst, osem.at[b]).wait()

        for g in range(K):
            start_g(g)

        def body_early(g, carry):
            start_g(g + K)
            wait_g(g)
            start_w(g)
            return carry

        lax.fori_loop(0, NTOT - K, body_early, 0)

        def body_main(g, carry):
            wait_w(g + K - NTOT)
            start_g(g + K)
            wait_g(g)
            start_w(g)
            return carry

        lax.fori_loop(NTOT - K, nch - K, body_main, 0)

        def body_tail(g, carry):
            wait_g(g)
            start_w(g)
            return carry

        lax.fori_loop(nch - K, nch, body_tail, 0)

        def body_drain(g, carry):
            wait_w(g)
            return carry

        lax.fori_loop(nch - NTOT, nch, body_drain, 0)

    return k(table, idx)


def kernel(nodes_list, id2emb):
    batch, hist = nodes_list.shape
    B = batch * hist
    assert B % (NW * CH) == 0
    nch = B // (NW * CH)
    idx = nodes_list.astype(jnp.int32).reshape(NW, nch, CH)
    out = _gather(nch, idx, id2emb)
    return out.reshape(batch, hist, D)

# --- scband reference (transcript-rebuilt; emitter-appended) ---
"""Pipeline reference for scband-bert-encoder-30872224923827 (READ-ONLY COPY).

The authoritative reference and input builder live on the scoring server;
editing this copy changes nothing except your own understanding.
"""

import jax, jax.numpy as jnp
import numpy as np

VOCAB = 1000000
EMB_DIM = 128
BATCH = 16384
HIST = 50


def setup_inputs(seed: int = 0) -> dict:
    key = jax.random.key(seed)
    k1, k2 = jax.random.split(key)
    nodes_list = jax.random.randint(k1, (BATCH, HIST), 0, VOCAB, dtype=jnp.int64 if jax.config.jax_enable_x64 else jnp.int32)
    # learned parameter: precomputed BERT id->embedding table (vstacked in original module)
    id2emb = jax.random.normal(k2, (VOCAB, EMB_DIM), dtype=jnp.float32) * 0.02
    return {"nodes_list": nodes_list, "id2emb": id2emb}


def reference(nodes_list, id2emb):
    # original: embeddings = torch.Tensor(self.id2emb[nodes_list...]); return self.dropout(embeddings)
    # gather rows from the embedding table
    embeddings = jnp.take(id2emb, nodes_list, axis=0)
    # dropout is identity at inference (eval mode); no scaling applied at eval in torch
    return embeddings

if __name__ == "__main__":
    import jax
    _d = setup_inputs()
    print(jax.jit(kernel)(*tuple(_d.values())))

</pallas_src>

<mosaic_0001>
#map = affine_map<(d0, d1) -> (0, 0)>
#map1 = affine_map<(d0, d1) -> (0, 0, 0)>
module attributes {stable_mosaic.version = 14 : i64} {
  func.func @k(%arg0: i32, %arg1: i32, %arg2: memref<1000000x128xf32, #tpu.memory_space<hbm>>, %arg3: memref<32x200x128xi32, #tpu.memory_space<hbm>>, %arg4: memref<819200x128xf32, #tpu.memory_space<hbm>>, %arg5: memref<200x128xi32, #tpu.memory_space<vmem>>, %arg6: memref<6x128x128xf32, #tpu.memory_space<vmem>>, %arg7: memref<6x!tpu.dma_semaphore, #tpu.memory_space<semaphore_mem>>, %arg8: memref<6x!tpu.dma_semaphore, #tpu.memory_space<semaphore_mem>>) attributes {dimension_semantics = [#tpu.dimension_semantics<core_parallel>, #tpu.dimension_semantics<subcore_parallel>], iteration_bounds = array<i64: 2, 16>, scalar_prefetch = 0 : i64, scratch_operands = 4 : i64, tpu.core_type = #tpu.core_type<sc_vector_subcore>, window_params = [{transform_indices = #map}, {transform_indices = #map1}, {transform_indices = #map}]} {
    %mul3A = arith.constant 2 : i32
    %mul3A_0 = arith.muli %arg1, %mul3A : i32
    %add3A = arith.addi %mul3A_0, %arg0 : i32
    "tpu.region"() ({
      %run_scoped3A = tpu.sem_alloc : memref<!tpu.dma_semaphore, #tpu.memory_space<semaphore_mem>>
      %dma_start3A_85 = arith.constant 0 : i32
      %dma_start3A_86 = arith.constant 0 : i32
      %dma_start3A_87 = tpu.memref_slice %arg3[%add3A, %dma_start3A_85, %dma_start3A_86] : memref<32x200x128xi32, #tpu.memory_space<hbm>> -> memref<1x200x128xi32, #tpu.memory_space<hbm>>
      %dma_start3A_88 = tpu.memref_squeeze %dma_start3A_87 : memref<1x200x128xi32, #tpu.memory_space<hbm>> -> memref<200x128xi32, #tpu.memory_space<hbm>>
      %dma_start3A_89 = arith.constant 0 : i32
      %dma_start3A_90 = arith.constant 0 : i32
      %dma_start3A_91 = tpu.memref_slice %arg3[%add3A, %dma_start3A_89, %dma_start3A_90] : memref<32x200x128xi32, #tpu.memory_space<hbm>> -> memref<1x200x128xi32, #tpu.memory_space<hbm>>
      %dma_start3A_92 = tpu.memref_squeeze %dma_start3A_91 : memref<1x200x128xi32, #tpu.memory_space<hbm>> -> memref<200x128xi32, #tpu.memory_space<hbm>>
      tpu.enqueue_dma source(%dma_start3A_92 : memref<200x128xi32, #tpu.memory_space<hbm>>) target(%arg5 : memref<200x128xi32, #tpu.memory_space<vmem>>) target_semaphore(%run_scoped3A : memref<!tpu.dma_semaphore, #tpu.memory_space<semaphore_mem>>)
      %dma_wait3A = arith.constant 0 : i32
      %dma_wait3A_93 = arith.constant 0 : i32
      %dma_wait3A_94 = tpu.memref_slice %arg3[%add3A, %dma_wait3A, %dma_wait3A_93] : memref<32x200x128xi32, #tpu.memory_space<hbm>> -> memref<1x200x128xi32, #tpu.memory_space<hbm>>
      %dma_wait3A_95 = tpu.memref_squeeze %dma_wait3A_94 : memref<1x200x128xi32, #tpu.memory_space<hbm>> -> memref<200x128xi32, #tpu.memory_space<hbm>>
      %dma_wait3A_96 = arith.constant 0 : i32
      %dma_wait3A_97 = arith.constant 0 : i32
      %dma_wait3A_98 = tpu.memref_slice %arg3[%add3A, %dma_wait3A_96, %dma_wait3A_97] : memref<32x200x128xi32, #tpu.memory_space<hbm>> -> memref<1x200x128xi32, #tpu.memory_space<hbm>>
      %dma_wait3A_99 = tpu.memref_squeeze %dma_wait3A_98 : memref<1x200x128xi32, #tpu.memory_space<hbm>> -> memref<200x128xi32, #tpu.memory_space<hbm>>
      tpu.wait_dma2 semaphore(%run_scoped3A : memref<!tpu.dma_semaphore, #tpu.memory_space<semaphore_mem>>) src(%dma_wait3A_99 : memref<200x128xi32, #tpu.memory_space<hbm>>) dst(%arg5 : memref<200x128xi32, #tpu.memory_space<vmem>>)
      tpu.yield
    }) : () -> ()
    %mul3A_1 = arith.constant 25600 : i32
    %mul3A_2 = arith.muli %add3A, %mul3A_1 : i32
    %dma_start3A = arith.constant 0 : i32
    %dma_start3A_3 = arith.constant 0 : i32
    %dma_start3A_4 = arith.constant 0 : i32
    %dma_start3A_5 = arith.constant 0 : i32
    %dma_start3A_6 = arith.constant 0 : i32
    %dma_start3A_7 = tpu.memref_slice %arg6[%dma_start3A_3, %dma_start3A_5, %dma_start3A_6] : memref<6x128x128xf32, #tpu.memory_space<vmem>> -> memref<1x128x128xf32, #tpu.memory_space<vmem>>
    %dma_start3A_8 = tpu.memref_squeeze %dma_start3A_7 : memref<1x128x128xf32, #tpu.memory_space<vmem>> -> memref<128x128xf32, #tpu.memory_space<vmem>>
    %dma_start3A_9 = arith.constant 0 : i32
    %dma_start3A_10 = tpu.memref_slice %arg5[%dma_start3A, %dma_start3A_9] : memref<200x128xi32, #tpu.memory_space<vmem>> -> memref<1x128xi32, #tpu.memory_space<vmem>>
    %dma_start3A_11 = tpu.memref_squeeze %dma_start3A_10 : memref<1x128xi32, #tpu.memory_space<vmem>> -> memref<128xi32, #tpu.memory_space<vmem>>
    %dma_start3A_12 = arith.constant 0 : i32
    %dma_start3A_13 = arith.constant 0 : i32
    %dma_start3A_14 = tpu.memref_slice %arg2[%dma_start3A_12, %dma_start3A_13] : memref<1000000x128xf32, #tpu.memory_space<hbm>> -> memref<1000000x128xf32, #tpu.memory_space<hbm>>
    %dma_start3A_15 = tpu.memref_slice %arg7[%dma_start3A_4] : memref<6x!tpu.dma_semaphore, #tpu.memory_space<semaphore_mem>> -> memref<1x!tpu.dma_semaphore, #tpu.memory_space<semaphore_mem>>
    %dma_start3A_16 = tpu.memref_squeeze %dma_start3A_15 : memref<1x!tpu.dma_semaphore, #tpu.memory_space<semaphore_mem>> -> memref<!tpu.dma_semaphore, #tpu.memory_space<semaphore_mem>>
    tpu.enqueue_indirect_dma source(%dma_start3A_14 : memref<1000000x128xf32, #tpu.memory_space<hbm>>) target(%dma_start3A_8 : memref<128x128xf32, #tpu.memory_space<vmem>>) offsets(%dma_start3A_11 : memref<128xi32, #tpu.memory_space<vmem>>) semaphore(%dma_start3A_16 : memref<!tpu.dma_semaphore, #tpu.memory_space<semaphore_mem>>)
    %dma_start3A_17 = arith.constant 1 : i32
    %dma_start3A_18 = arith.constant 1 : i32
    %dma_start3A_19 = arith.constant 1 : i32
    %dma_start3A_20 = arith.constant 0 : i32
    %dma_start3A_21 = arith.constant 0 : i32
    %dma_start3A_22 = tpu.memref_slice %arg6[%dma_start3A_18, %dma_start3A_20, %dma_start3A_21] : memref<6x128x128xf32, #tpu.memory_space<vmem>> -> memref<1x128x128xf32, #tpu.memory_space<vmem>>
    %dma_start3A_23 = tpu.memref_squeeze %dma_start3A_22 : memref<1x128x128xf32, #tpu.memory_space<vmem>> -> memref<128x128xf32, #tpu.memory_space<vmem>>
    %dma_start3A_24 = arith.constant 0 : i32
    %dma_start3A_25 = tpu.memref_slice %arg5[%dma_start3A_17, %dma_start3A_24] : memref<200x128xi32, #tpu.memory_space<vmem>> -> memref<1x128xi32, #tpu.memory_space<vmem>>
    %dma_start3A_26 = tpu.memref_squeeze %dma_start3A_25 : memref<1x128xi32, #tpu.memory_space<vmem>> -> memref<128xi32, #tpu.memory_space<vmem>>
    %dma_start3A_27 = arith.constant 0 : i32
    %dma_start3A_28 = arith.constant 0 : i32
    %dma_start3A_29 = tpu.memref_slice %arg2[%dma_start3A_27, %dma_start3A_28] : memref<1000000x128xf32, #tpu.memory_space<hbm>> -> memref<1000000x128xf32, #tpu.memory_space<hbm>>
    %dma_start3A_30 = tpu.memref_slice %arg7[%dma_start3A_19] : memref<6x!tpu.dma_semaphore, #tpu.memory_space<semaphore_mem>> -> memref<1x!tpu.dma_semaphore, #tpu.memory_space<semaphore_mem>>
    %dma_start3A_31 = tpu.memref_squeeze %dma_start3A_30 : memref<1x!tpu.dma_semaphore, #tpu.memory_space<semaphore_mem>> -> memref<!tpu.dma_semaphore, #tpu.memory_space<semaphore_mem>>
    tpu.enqueue_indirect_dma source(%dma_start3A_29 : memref<1000000x128xf32, #tpu.memory_space<hbm>>) target(%dma_start3A_23 : memref<128x128xf32, #tpu.memory_space<vmem>>) offsets(%dma_start3A_26 : memref<128xi32, #tpu.memory_space<vmem>>) semaphore(%dma_start3A_31 : memref<!tpu.dma_semaphore, #tpu.memory_space<semaphore_mem>>)
    %dma_start3A_32 = arith.constant 2 : i32
    %dma_start3A_33 = arith.constant 2 : i32
    %dma_start3A_34 = arith.constant 2 : i32
    %dma_start3A_35 = arith.constant 0 : i32
    %dma_start3A_36 = arith.constant 0 : i32
    %dma_start3A_37 = tpu.memref_slice %arg6[%dma_start3A_33, %dma_start3A_35, %dma_start3A_36] : memref<6x128x128xf32, #tpu.memory_space<vmem>> -> memref<1x128x128xf32, #tpu.memory_space<vmem>>
    %dma_start3A_38 = tpu.memref_squeeze %dma_start3A_37 : memref<1x128x128xf32, #tpu.memory_space<vmem>> -> memref<128x128xf32, #tpu.memory_space<vmem>>
    %dma_start3A_39 = arith.constant 0 : i32
    %dma_start3A_40 = tpu.memref_slice %arg5[%dma_start3A_32, %dma_start3A_39] : memref<200x128xi32, #tpu.memory_space<vmem>> -> memref<1x128xi32, #tpu.memory_space<vmem>>
    %dma_start3A_41 = tpu.memref_squeeze %dma_start3A_40 : memref<1x128xi32, #tpu.memory_space<vmem>> -> memref<128xi32, #tpu.memory_space<vmem>>
    %dma_start3A_42 = arith.constant 0 : i32
    %dma_start3A_43 = arith.constant 0 : i32
    %dma_start3A_44 = tpu.memref_slice %arg2[%dma_start3A_42, %dma_start3A_43] : memref<1000000x128xf32, #tpu.memory_space<hbm>> -> memref<1000000x128xf32, #tpu.memory_space<hbm>>
    %dma_start3A_45 = tpu.memref_slice %arg7[%dma_start3A_34] : memref<6x!tpu.dma_semaphore, #tpu.memory_space<semaphore_mem>> -> memref<1x!tpu.dma_semaphore, #tpu.memory_space<semaphore_mem>>
    %dma_start3A_46 = tpu.memref_squeeze %dma_start3A_45 : memref<1x!tpu.dma_semaphore, #tpu.memory_space<semaphore_mem>> -> memref<!tpu.dma_semaphore, #tpu.memory_space<semaphore_mem>>
    tpu.enqueue_indirect_dma source(%dma_start3A_44 : memref<1000000x128xf32, #tpu.memory_space<hbm>>) target(%dma_start3A_38 : memref<128x128xf32, #tpu.memory_space<vmem>>) offsets(%dma_start3A_41 : memref<128xi32, #tpu.memory_space<vmem>>) semaphore(%dma_start3A_46 : memref<!tpu.dma_semaphore, #tpu.memory_space<semaphore_mem>>)
    %dma_start3A_47 = arith.constant 3 : i32
    %dma_start3A_48 = arith.constant 3 : i32
    %dma_start3A_49 = arith.constant 3 : i32
    %dma_start3A_50 = arith.constant 0 : i32
    %dma_start3A_51 = arith.constant 0 : i32
    %dma_start3A_52 = tpu.memref_slice %arg6[%dma_start3A_48, %dma_start3A_50, %dma_start3A_51] : memref<6x128x128xf32, #tpu.memory_space<vmem>> -> memref<1x128x128xf32, #tpu.memory_space<vmem>>
    %dma_start3A_53 = tpu.memref_squeeze %dma_start3A_52 : memref<1x128x128xf32, #tpu.memory_space<vmem>> -> memref<128x128xf32, #tpu.memory_space<vmem>>
    %dma_start3A_54 = arith.constant 0 : i32
    %dma_start3A_55 = tpu.memref_slice %arg5[%dma_start3A_47, %dma_start3A_54] : memref<200x128xi32, #tpu.memory_space<vmem>> -> memref<1x128xi32, #tpu.memory_space<vmem>>
    %dma_start3A_56 = tpu.memref_squeeze %dma_start3A_55 : memref<1x128xi32, #tpu.memory_space<vmem>> -> memref<128xi32, #tpu.memory_space<vmem>>
    %dma_start3A_57 = arith.constant 0 : i32
    %dma_start3A_58 = arith.constant 0 : i32
    %dma_start3A_59 = tpu.memref_slice %arg2[%dma_start3A_57, %dma_start3A_58] : memref<1000000x128xf32, #tpu.memory_space<hbm>> -> memref<1000000x128xf32, #tpu.memory_space<hbm>>
    %dma_start3A_60 = tpu.memref_slice %arg7[%dma_start3A_49] : memref<6x!tpu.dma_semaphore, #tpu.memory_space<semaphore_mem>> -> memref<1x!tpu.dma_semaphore, #tpu.memory_space<semaphore_mem>>
    %dma_start3A_61 = tpu.memref_squeeze %dma_start3A_60 : memref<1x!tpu.dma_semaphore, #tpu.memory_space<semaphore_mem>> -> memref<!tpu.dma_semaphore, #tpu.memory_space<semaphore_mem>>
    tpu.enqueue_indirect_dma source(%dma_start3A_59 : memref<1000000x128xf32, #tpu.memory_space<hbm>>) target(%dma_start3A_53 : memref<128x128xf32, #tpu.memory_space<vmem>>) offsets(%dma_start3A_56 : memref<128xi32, #tpu.memory_space<vmem>>) semaphore(%dma_start3A_61 : memref<!tpu.dma_semaphore, #tpu.memory_space<semaphore_mem>>)
    %scan3A = arith.constant 0 : i32
    %scan3A_62 = arith.constant 0 : i32
    %scan3A_63 = arith.constant 2 : i32
    %scan3A_64 = arith.addi %scan3A_62, %scan3A_63 : i32
    %scan3A_65 = arith.constant 1 : i32
    scf.for %scan3A_85 = %scan3A_62 to %scan3A_64 step %scan3A_65  : i32 {
      %add3A_86 = arith.constant 4 : i32
      %add3A_87 = arith.addi %scan3A_85, %add3A_86 : i32
      %jit3A = arith.constant 6 : i32
      %eq3A = arith.constant 0 : i32
      %eq3A_88 = arith.cmpi eq, %jit3A, %eq3A : i32
      %jit3A_89 = arith.constant 1 : i32
      %select_n3A = arith.select %eq3A_88, %jit3A_89, %jit3A : i32
      %rem3A = arith.remsi %add3A_87, %select_n3A : i32
      %ne3A = arith.constant 0 : i32
      %ne3A_90 = arith.cmpi ne, %rem3A, %ne3A : i32
      %lt3A = arith.constant 0 : i32
      %lt3A_91 = arith.cmpi slt, %rem3A, %lt3A : i32
      %lt3A_92 = arith.constant 0 : i32
      %lt3A_93 = arith.cmpi slt, %select_n3A, %lt3A_92 : i32
      %ne3A_94 = arith.xori %lt3A_91, %lt3A_93 : i1
      %and3A = arith.andi %ne3A_94, %ne3A_90 : i1
      %add3A_95 = arith.addi %rem3A, %select_n3A : i32
      %select_n3A_96 = arith.select %and3A, %add3A_95, %rem3A : i32
      %dma_start3A_97 = arith.constant 0 : i32
      %dma_start3A_98 = arith.constant 0 : i32
      %dma_start3A_99 = tpu.memref_slice %arg6[%select_n3A_96, %dma_start3A_97, %dma_start3A_98] : memref<6x128x128xf32, #tpu.memory_space<vmem>> -> memref<1x128x128xf32, #tpu.memory_space<vmem>>
      %dma_start3A_100 = tpu.memref_squeeze %dma_start3A_99 : memref<1x128x128xf32, #tpu.memory_space<vmem>> -> memref<128x128xf32, #tpu.memory_space<vmem>>
      %dma_start3A_101 = arith.constant 0 : i32
      %dma_start3A_102 = tpu.memref_slice %arg5[%add3A_87, %dma_start3A_101] : memref<200x128xi32, #tpu.memory_space<vmem>> -> memref<1x128xi32, #tpu.memory_space<vmem>>
      %dma_start3A_103 = tpu.memref_squeeze %dma_start3A_102 : memref<1x128xi32, #tpu.memory_space<vmem>> -> memref<128xi32, #tpu.memory_space<vmem>>
      %dma_start3A_104 = arith.constant 0 : i32
      %dma_start3A_105 = arith.constant 0 : i32
      %dma_start3A_106 = tpu.memref_slice %arg2[%dma_start3A_104, %dma_start3A_105] : memref<1000000x128xf32, #tpu.memory_space<hbm>> -> memref<1000000x128xf32, #tpu.memory_space<hbm>>
      %dma_start3A_107 = tpu.memref_slice %arg7[%select_n3A_96] : memref<6x!tpu.dma_semaphore, #tpu.memory_space<semaphore_mem>> -> memref<1x!tpu.dma_semaphore, #tpu.memory_space<semaphore_mem>>
      %dma_start3A_108 = tpu.memref_squeeze %dma_start3A_107 : memref<1x!tpu.dma_semaphore, #tpu.memory_space<semaphore_mem>> -> memref<!tpu.dma_semaphore, #tpu.memory_space<semaphore_mem>>
      tpu.enqueue_indirect_dma source(%dma_start3A_106 : memref<1000000x128xf32, #tpu.memory_space<hbm>>) target(%dma_start3A_100 : memref<128x128xf32, #tpu.memory_space<vmem>>) offsets(%dma_start3A_103 : memref<128xi32, #tpu.memory_space<vmem>>) semaphore(%dma_start3A_108 : memref<!tpu.dma_semaphore, #tpu.memory_space<semaphore_mem>>)
      %jit3A_109 = arith.constant 6 : i32
      %eq3A_110 = arith.constant 0 : i32
      %eq3A_111 = arith.cmpi eq, %jit3A_109, %eq3A_110 : i32
      %jit3A_112 = arith.constant 1 : i32
      %select_n3A_113 = arith.select %eq3A_111, %jit3A_112, %jit3A_109 : i32
      %rem3A_114 = arith.remsi %scan3A_85, %select_n3A_113 : i32
      %ne3A_115 = arith.constant 0 : i32
      %ne3A_116 = arith.cmpi ne, %rem3A_114, %ne3A_115 : i32
      %lt3A_117 = arith.constant 0 : i32
      %lt3A_118 = arith.cmpi slt, %rem3A_114, %lt3A_117 : i32
      %lt3A_119 = arith.constant 0 : i32
      %lt3A_120 = arith.cmpi slt, %select_n3A_113, %lt3A_119 : i32
      %ne3A_121 = arith.xori %lt3A_118, %lt3A_120 : i1
      %and3A_122 = arith.andi %ne3A_121, %ne3A_116 : i1
      %add3A_123 = arith.addi %rem3A_114, %select_n3A_113 : i32
      %select_n3A_124 = arith.select %and3A_122, %add3A_123, %rem3A_114 : i32
      %dma_wait3A = arith.constant 0 : i32
      %dma_wait3A_125 = arith.constant 0 : i32
      %dma_wait3A_126 = tpu.memref_slice %arg6[%select_n3A_124, %dma_wait3A, %dma_wait3A_125] : memref<6x128x128xf32, #tpu.memory_space<vmem>> -> memref<1x128x128xf32, #tpu.memory_space<vmem>>
      %dma_wait3A_127 = tpu.memref_squeeze %dma_wait3A_126 : memref<1x128x128xf32, #tpu.memory_space<vmem>> -> memref<128x128xf32, #tpu.memory_space<vmem>>
      %dma_wait3A_128 = arith.constant 0 : i32
      %dma_wait3A_129 = tpu.memref_slice %arg5[%scan3A_85, %dma_wait3A_128] : memref<200x128xi32, #tpu.memory_space<vmem>> -> memref<1x128xi32, #tpu.memory_space<vmem>>
      %dma_wait3A_130 = tpu.memref_squeeze %dma_wait3A_129 : memref<1x128xi32, #tpu.memory_space<vmem>> -> memref<128xi32, #tpu.memory_space<vmem>>
      %dma_wait3A_131 = arith.constant 0 : i32
      %dma_wait3A_132 = arith.constant 0 : i32
      %dma_wait3A_133 = tpu.memref_slice %arg2[%dma_wait3A_131, %dma_wait3A_132] : memref<1000000x128xf32, #tpu.memory_space<hbm>> -> memref<1000000x128xf32, #tpu.memory_space<hbm>>
      %dma_wait3A_134 = tpu.memref_slice %arg7[%select_n3A_124] : memref<6x!tpu.dma_semaphore, #tpu.memory_space<semaphore_mem>> -> memref<1x!tpu.dma_semaphore, #tpu.memory_space<semaphore_mem>>
      %dma_wait3A_135 = tpu.memref_squeeze %dma_wait3A_134 : memref<1x!tpu.dma_semaphore, #tpu.memory_space<semaphore_mem>> -> memref<!tpu.dma_semaphore, #tpu.memory_space<semaphore_mem>>
      tpu.wait_indirect_dma semaphore(%dma_wait3A_135 : memref<!tpu.dma_semaphore, #tpu.memory_space<semaphore_mem>>) src(%dma_wait3A_133 : memref<1000000x128xf32, #tpu.memory_space<hbm>>) dst(%dma_wait3A_127 : memref<128x128xf32, #tpu.memory_space<vmem>>)
      %jit3A_136 = arith.constant 6 : i32
      %eq3A_137 = arith.constant 0 : i32
      %eq3A_138 = arith.cmpi eq, %jit3A_136, %eq3A_137 : i32
      %jit3A_139 = arith.constant 1 : i32
      %select_n3A_140 = arith.select %eq3A_138, %jit3A_139, %jit3A_136 : i32
      %rem3A_141 = arith.remsi %scan3A_85, %select_n3A_140 : i32
      %ne3A_142 = arith.constant 0 : i32
      %ne3A_143 = arith.cmpi ne, %rem3A_141, %ne3A_142 : i32
      %lt3A_144 = arith.constant 0 : i32
      %lt3A_145 = arith.cmpi slt, %rem3A_141, %lt3A_144 : i32
      %lt3A_146 = arith.constant 0 : i32
      %lt3A_147 = arith.cmpi slt, %select_n3A_140, %lt3A_146 : i32
      %ne3A_148 = arith.xori %lt3A_145, %lt3A_147 : i1
      %and3A_149 = arith.andi %ne3A_148, %ne3A_143 : i1
      %add3A_150 = arith.addi %rem3A_141, %select_n3A_140 : i32
      %select_n3A_151 = arith.select %and3A_149, %add3A_150, %rem3A_141 : i32
      %mul3A_152 = arith.constant 128 : i32
      %mul3A_153 = arith.muli %scan3A_85, %mul3A_152 : i32
      %add3A_154 = arith.addi %mul3A_2, %mul3A_153 : i32
      %dma_start3A_155 = arith.constant 0 : i32
      %dma_start3A_156 = arith.constant 0 : i32
      %dma_start3A_157 = tpu.memref_slice %arg6[%select_n3A_151, %dma_start3A_155, %dma_start3A_156] : memref<6x128x128xf32, #tpu.memory_space<vmem>> -> memref<1x128x128xf32, #tpu.memory_space<vmem>>
      %dma_start3A_158 = tpu.memref_squeeze %dma_start3A_157 : memref<1x128x128xf32, #tpu.memory_space<vmem>> -> memref<128x128xf32, #tpu.memory_space<vmem>>
      %dma_start3A_159 = arith.constant 0 : i32
      %dma_start3A_160 = tpu.memref_slice %arg4[%add3A_154, %dma_start3A_159] : memref<819200x128xf32, #tpu.memory_space<hbm>> -> memref<128x128xf32, #tpu.memory_space<hbm>>
      %dma_start3A_161 = tpu.memref_slice %arg8[%select_n3A_151] : memref<6x!tpu.dma_semaphore, #tpu.memory_space<semaphore_mem>> -> memref<1x!tpu.dma_semaphore, #tpu.memory_space<semaphore_mem>>
      %dma_start3A_162 = tpu.memref_squeeze %dma_start3A_161 : memref<1x!tpu.dma_semaphore, #tpu.memory_space<semaphore_mem>> -> memref<!tpu.dma_semaphore, #tpu.memory_space<semaphore_mem>>
      %dma_start3A_163 = arith.constant 0 : i32
      %dma_start3A_164 = tpu.memref_slice %arg4[%add3A_154, %dma_start3A_163] : memref<819200x128xf32, #tpu.memory_space<hbm>> -> memref<128x128xf32, #tpu.memory_space<hbm>>
      %dma_start3A_165 = arith.constant 0 : i32
      %dma_start3A_166 = arith.constant 0 : i32
      %dma_start3A_167 = tpu.memref_slice %arg6[%select_n3A_151, %dma_start3A_165, %dma_start3A_166] : memref<6x128x128xf32, #tpu.memory_space<vmem>> -> memref<1x128x128xf32, #tpu.memory_space<vmem>>
      %dma_start3A_168 = tpu.memref_squeeze %dma_start3A_167 : memref<1x128x128xf32, #tpu.memory_space<vmem>> -> memref<128x128xf32, #tpu.memory_space<vmem>>
      tpu.enqueue_dma source(%dma_start3A_168 : memref<128x128xf32, #tpu.memory_space<vmem>>) target(%dma_start3A_164 : memref<128x128xf32, #tpu.memory_space<hbm>>) target_semaphore(%dma_start3A_162 : memref<!tpu.dma_semaphore, #tpu.memory_space<semaphore_mem>>)
    }
    %scan3A_66 = arith.constant 2 : i32
    %scan3A_67 = arith.constant 0 : i32
    %scan3A_68 = arith.constant 2 : i32
    %scan3A_69 = arith.constant 194 : i32
    %scan3A_70 = arith.addi %scan3A_68, %scan3A_69 : i32
    %scan3A_71 = arith.constant 1 : i32
    scf.for %scan3A_85 = %scan3A_68 to %scan3A_70 step %scan3A_71  : i32 {
      %add3A_86 = arith.constant 4 : i32
      %add3A_87 = arith.addi %scan3A_85, %add3A_86 : i32
      %sub3A = arith.constant 6 : i32
      %sub3A_88 = arith.subi %add3A_87, %sub3A : i32
      %jit3A = arith.constant 6 : i32
      %eq3A = arith.constant 0 : i32
      %eq3A_89 = arith.cmpi eq, %jit3A, %eq3A : i32
      %jit3A_90 = arith.constant 1 : i32
      %select_n3A = arith.select %eq3A_89, %jit3A_90, %jit3A : i32
      %rem3A = arith.remsi %sub3A_88, %select_n3A : i32
      %ne3A = arith.constant 0 : i32
      %ne3A_91 = arith.cmpi ne, %rem3A, %ne3A : i32
      %lt3A = arith.constant 0 : i32
      %lt3A_92 = arith.cmpi slt, %rem3A, %lt3A : i32
      %lt3A_93 = arith.constant 0 : i32
      %lt3A_94 = arith.cmpi slt, %select_n3A, %lt3A_93 : i32
      %ne3A_95 = arith.xori %lt3A_92, %lt3A_94 : i1
      %and3A = arith.andi %ne3A_95, %ne3A_91 : i1
      %add3A_96 = arith.addi %rem3A, %select_n3A : i32
      %select_n3A_97 = arith.select %and3A, %add3A_96, %rem3A : i32
      %mul3A_98 = arith.constant 128 : i32
      %mul3A_99 = arith.muli %sub3A_88, %mul3A_98 : i32
      %add3A_100 = arith.addi %mul3A_2, %mul3A_99 : i32
      %dma_wait3A = arith.constant 0 : i32
      %dma_wait3A_101 = arith.constant 0 : i32
      %dma_wait3A_102 = tpu.memref_slice %arg6[%select_n3A_97, %dma_wait3A, %dma_wait3A_101] : memref<6x128x128xf32, #tpu.memory_space<vmem>> -> memref<1x128x128xf32, #tpu.memory_space<vmem>>
      %dma_wait3A_103 = tpu.memref_squeeze %dma_wait3A_102 : memref<1x128x128xf32, #tpu.memory_space<vmem>> -> memref<128x128xf32, #tpu.memory_space<vmem>>
      %dma_wait3A_104 = arith.constant 0 : i32
      %dma_wait3A_105 = tpu.memref_slice %arg4[%add3A_100, %dma_wait3A_104] : memref<819200x128xf32, #tpu.memory_space<hbm>> -> memref<128x128xf32, #tpu.memory_space<hbm>>
      %dma_wait3A_106 = tpu.memref_slice %arg8[%select_n3A_97] : memref<6x!tpu.dma_semaphore, #tpu.memory_space<semaphore_mem>> -> memref<1x!tpu.dma_semaphore, #tpu.memory_space<semaphore_mem>>
      %dma_wait3A_107 = tpu.memref_squeeze %dma_wait3A_106 : memref<1x!tpu.dma_semaphore, #tpu.memory_space<semaphore_mem>> -> memref<!tpu.dma_semaphore, #tpu.memory_space<semaphore_mem>>
      %dma_wait3A_108 = arith.constant 0 : i32
      %dma_wait3A_109 = tpu.memref_slice %arg4[%add3A_100, %dma_wait3A_108] : memref<819200x128xf32, #tpu.memory_space<hbm>> -> memref<128x128xf32, #tpu.memory_space<hbm>>
      %dma_wait3A_110 = arith.constant 0 : i32
      %dma_wait3A_111 = arith.constant 0 : i32
      %dma_wait3A_112 = tpu.memref_slice %arg6[%select_n3A_97, %dma_wait3A_110, %dma_wait3A_111] : memref<6x128x128xf32, #tpu.memory_space<vmem>> -> memref<1x128x128xf32, #tpu.memory_space<vmem>>
      %dma_wait3A_113 = tpu.memref_squeeze %dma_wait3A_112 : memref<1x128x128xf32, #tpu.memory_space<vmem>> -> memref<128x128xf32, #tpu.memory_space<vmem>>
      tpu.wait_dma2 semaphore(%dma_wait3A_107 : memref<!tpu.dma_semaphore, #tpu.memory_space<semaphore_mem>>) src(%dma_wait3A_113 : memref<128x128xf32, #tpu.memory_space<vmem>>) dst(%dma_wait3A_109 : memref<128x128xf32, #tpu.memory_space<hbm>>)
      %add3A_114 = arith.constant 4 : i32
      %add3A_115 = arith.addi %scan3A_85, %add3A_114 : i32
      %jit3A_116 = arith.constant 6 : i32
      %eq3A_117 = arith.constant 0 : i32
      %eq3A_118 = arith.cmpi eq, %jit3A_116, %eq3A_117 : i32
      %jit3A_119 = arith.constant 1 : i32
      %select_n3A_120 = arith.select %eq3A_118, %jit3A_119, %jit3A_116 : i32
      %rem3A_121 = arith.remsi %add3A_115, %select_n3A_120 : i32
      %ne3A_122 = arith.constant 0 : i32
      %ne3A_123 = arith.cmpi ne, %rem3A_121, %ne3A_122 : i32
      %lt3A_124 = arith.constant 0 : i32
      %lt3A_125 = arith.cmpi slt, %rem3A_121, %lt3A_124 : i32
      %lt3A_126 = arith.constant 0 : i32
      %lt3A_127 = arith.cmpi slt, %select_n3A_120, %lt3A_126 : i32
      %ne3A_128 = arith.xori %lt3A_125, %lt3A_127 : i1
      %and3A_129 = arith.andi %ne3A_128, %ne3A_123 : i1
      %add3A_130 = arith.addi %rem3A_121, %select_n3A_120 : i32
      %select_n3A_131 = arith.select %and3A_129, %add3A_130, %rem3A_121 : i32
      %dma_start3A_132 = arith.constant 0 : i32
      %dma_start3A_133 = arith.constant 0 : i32
      %dma_start3A_134 = tpu.memref_slice %arg6[%select_n3A_131, %dma_start3A_132, %dma_start3A_133] : memref<6x128x128xf32, #tpu.memory_space<vmem>> -> memref<1x128x128xf32, #tpu.memory_space<vmem>>
      %dma_start3A_135 = tpu.memref_squeeze %dma_start3A_134 : memref<1x128x128xf32, #tpu.memory_space<vmem>> -> memref<128x128xf32, #tpu.memory_space<vmem>>
      %dma_start3A_136 = arith.constant 0 : i32
      %dma_start3A_137 = tpu.memref_slice %arg5[%add3A_115, %dma_start3A_136] : memref<200x128xi32, #tpu.memory_space<vmem>> -> memref<1x128xi32, #tpu.memory_space<vmem>>
      %dma_start3A_138 = tpu.memref_squeeze %dma_start3A_137 : memref<1x128xi32, #tpu.memory_space<vmem>> -> memref<128xi32, #tpu.memory_space<vmem>>
      %dma_start3A_139 = arith.constant 0 : i32
      %dma_start3A_140 = arith.constant 0 : i32
      %dma_start3A_141 = tpu.memref_slice %arg2[%dma_start3A_139, %dma_start3A_140] : memref<1000000x128xf32, #tpu.memory_space<hbm>> -> memref<1000000x128xf32, #tpu.memory_space<hbm>>
      %dma_start3A_142 = tpu.memref_slice %arg7[%select_n3A_131] : memref<6x!tpu.dma_semaphore, #tpu.memory_space<semaphore_mem>> -> memref<1x!tpu.dma_semaphore, #tpu.memory_space<semaphore_mem>>
      %dma_start3A_143 = tpu.memref_squeeze %dma_start3A_142 : memref<1x!tpu.dma_semaphore, #tpu.memory_space<semaphore_mem>> -> memref<!tpu.dma_semaphore, #tpu.memory_space<semaphore_mem>>
      tpu.enqueue_indirect_dma source(%dma_start3A_141 : memref<1000000x128xf32, #tpu.memory_space<hbm>>) target(%dma_start3A_135 : memref<128x128xf32, #tpu.memory_space<vmem>>) offsets(%dma_start3A_138 : memref<128xi32, #tpu.memory_space<vmem>>) semaphore(%dma_start3A_143 : memref<!tpu.dma_semaphore, #tpu.memory_space<semaphore_mem>>)
      %jit3A_144 = arith.constant 6 : i32
      %eq3A_145 = arith.constant 0 : i32
      %eq3A_146 = arith.cmpi eq, %jit3A_144, %eq3A_145 : i32
      %jit3A_147 = arith.constant 1 : i32
      %select_n3A_148 = arith.select %eq3A_146, %jit3A_147, %jit3A_144 : i32
      %rem3A_149 = arith.remsi %scan3A_85, %select_n3A_148 : i32
      %ne3A_150 = arith.constant 0 : i32
      %ne3A_151 = arith.cmpi ne, %rem3A_149, %ne3A_150 : i32
      %lt3A_152 = arith.constant 0 : i32
      %lt3A_153 = arith.cmpi slt, %rem3A_149, %lt3A_152 : i32
      %lt3A_154 = arith.constant 0 : i32
      %lt3A_155 = arith.cmpi slt, %select_n3A_148, %lt3A_154 : i32
      %ne3A_156 = arith.xori %lt3A_153, %lt3A_155 : i1
      %and3A_157 = arith.andi %ne3A_156, %ne3A_151 : i1
      %add3A_158 = arith.addi %rem3A_149, %select_n3A_148 : i32
      %select_n3A_159 = arith.select %and3A_157, %add3A_158, %rem3A_149 : i32
      %dma_wait3A_160 = arith.constant 0 : i32
      %dma_wait3A_161 = arith.constant 0 : i32
      %dma_wait3A_162 = tpu.memref_slice %arg6[%select_n3A_159, %dma_wait3A_160, %dma_wait3A_161] : memref<6x128x128xf32, #tpu.memory_space<vmem>> -> memref<1x128x128xf32, #tpu.memory_space<vmem>>
      %dma_wait3A_163 = tpu.memref_squeeze %dma_wait3A_162 : memref<1x128x128xf32, #tpu.memory_space<vmem>> -> memref<128x128xf32, #tpu.memory_space<vmem>>
      %dma_wait3A_164 = arith.constant 0 : i32
      %dma_wait3A_165 = tpu.memref_slice %arg5[%scan3A_85, %dma_wait3A_164] : memref<200x128xi32, #tpu.memory_space<vmem>> -> memref<1x128xi32, #tpu.memory_space<vmem>>
      %dma_wait3A_166 = tpu.memref_squeeze %dma_wait3A_165 : memref<1x128xi32, #tpu.memory_space<vmem>> -> memref<128xi32, #tpu.memory_space<vmem>>
      %dma_wait3A_167 = arith.constant 0 : i32
      %dma_wait3A_168 = arith.constant 0 : i32
      %dma_wait3A_169 = tpu.memref_slice %arg2[%dma_wait3A_167, %dma_wait3A_168] : memref<1000000x128xf32, #tpu.memory_space<hbm>> -> memref<1000000x128xf32, #tpu.memory_space<hbm>>
      %dma_wait3A_170 = tpu.memref_slice %arg7[%select_n3A_159] : memref<6x!tpu.dma_semaphore, #tpu.memory_space<semaphore_mem>> -> memref<1x!tpu.dma_semaphore, #tpu.memory_space<semaphore_mem>>
      %dma_wait3A_171 = tpu.memref_squeeze %dma_wait3A_170 : memref<1x!tpu.dma_semaphore, #tpu.memory_space<semaphore_mem>> -> memref<!tpu.dma_semaphore, #tpu.memory_space<semaphore_mem>>
      tpu.wait_indirect_dma semaphore(%dma_wait3A_171 : memref<!tpu.dma_semaphore, #tpu.memory_space<semaphore_mem>>) src(%dma_wait3A_169 : memref<1000000x128xf32, #tpu.memory_space<hbm>>) dst(%dma_wait3A_163 : memref<128x128xf32, #tpu.memory_space<vmem>>)
      %jit3A_172 = arith.constant 6 : i32
      %eq3A_173 = arith.constant 0 : i32
      %eq3A_174 = arith.cmpi eq, %jit3A_172, %eq3A_173 : i32
      %jit3A_175 = arith.constant 1 : i32
      %select_n3A_176 = arith.select %eq3A_174, %jit3A_175, %jit3A_172 : i32
      %rem3A_177 = arith.remsi %scan3A_85, %select_n3A_176 : i32
      %ne3A_178 = arith.constant 0 : i32
      %ne3A_179 = arith.cmpi ne, %rem3A_177, %ne3A_178 : i32
      %lt3A_180 = arith.constant 0 : i32
      %lt3A_181 = arith.cmpi slt, %rem3A_177, %lt3A_180 : i32
      %lt3A_182 = arith.constant 0 : i32
      %lt3A_183 = arith.cmpi slt, %select_n3A_176, %lt3A_182 : i32
      %ne3A_184 = arith.xori %lt3A_181, %lt3A_183 : i1
      %and3A_185 = arith.andi %ne3A_184, %ne3A_179 : i1
      %add3A_186 = arith.addi %rem3A_177, %select_n3A_176 : i32
      %select_n3A_187 = arith.select %and3A_185, %add3A_186, %rem3A_177 : i32
      %mul3A_188 = arith.constant 128 : i32
      %mul3A_189 = arith.muli %scan3A_85, %mul3A_188 : i32
      %add3A_190 = arith.addi %mul3A_2, %mul3A_189 : i32
      %dma_start3A_191 = arith.constant 0 : i32
      %dma_start3A_192 = arith.constant 0 : i32
      %dma_start3A_193 = tpu.memref_slice %arg6[%select_n3A_187, %dma_start3A_191, %dma_start3A_192] : memref<6x128x128xf32, #tpu.memory_space<vmem>> -> memref<1x128x128xf32, #tpu.memory_space<vmem>>
      %dma_start3A_194 = tpu.memref_squeeze %dma_start3A_193 : memref<1x128x128xf32, #tpu.memory_space<vmem>> -> memref<128x128xf32, #tpu.memory_space<vmem>>
      %dma_start3A_195 = arith.constant 0 : i32
      %dma_start3A_196 = tpu.memref_slice %arg4[%add3A_190, %dma_start3A_195] : memref<819200x128xf32, #tpu.memory_space<hbm>> -> memref<128x128xf32, #tpu.memory_space<hbm>>
      %dma_start3A_197 = tpu.memref_slice %arg8[%select_n3A_187] : memref<6x!tpu.dma_semaphore, #tpu.memory_space<semaphore_mem>> -> memref<1x!tpu.dma_semaphore, #tpu.memory_space<semaphore_mem>>
      %dma_start3A_198 = tpu.memref_squeeze %dma_start3A_197 : memref<1x!tpu.dma_semaphore, #tpu.memory_space<semaphore_mem>> -> memref<!tpu.dma_semaphore, #tpu.memory_space<semaphore_mem>>
      %dma_start3A_199 = arith.constant 0 : i32
      %dma_start3A_200 = tpu.memref_slice %arg4[%add3A_190, %dma_start3A_199] : memref<819200x128xf32, #tpu.memory_space<hbm>> -> memref<128x128xf32, #tpu.memory_space<hbm>>
      %dma_start3A_201 = arith.constant 0 : i32
      %dma_start3A_202 = arith.constant 0 : i32
      %dma_start3A_203 = tpu.memref_slice %arg6[%select_n3A_187, %dma_start3A_201, %dma_start3A_202] : memref<6x128x128xf32, #tpu.memory_space<vmem>> -> memref<1x128x128xf32, #tpu.memory_space<vmem>>
      %dma_start3A_204 = tpu.memref_squeeze %dma_start3A_203 : memref<1x128x128xf32, #tpu.memory_space<vmem>> -> memref<128x128xf32, #tpu.memory_space<vmem>>
      tpu.enqueue_dma source(%dma_start3A_204 : memref<128x128xf32, #tpu.memory_space<vmem>>) target(%dma_start3A_200 : memref<128x128xf32, #tpu.memory_space<hbm>>) target_semaphore(%dma_start3A_198 : memref<!tpu.dma_semaphore, #tpu.memory_space<semaphore_mem>>)
    }
    %scan3A_72 = arith.constant 194 : i32
    %scan3A_73 = arith.constant 0 : i32
    %scan3A_74 = arith.constant 196 : i32
    %scan3A_75 = arith.constant 4 : i32
    %scan3A_76 = arith.addi %scan3A_74, %scan3A_75 : i32
    %scan3A_77 = arith.constant 1 : i32
    scf.for %scan3A_85 = %scan3A_74 to %scan3A_76 step %scan3A_77  : i32 {
      %jit3A = arith.constant 6 : i32
      %eq3A = arith.constant 0 : i32
      %eq3A_86 = arith.cmpi eq, %jit3A, %eq3A : i32
      %jit3A_87 = arith.constant 1 : i32
      %select_n3A = arith.select %eq3A_86, %jit3A_87, %jit3A : i32
      %rem3A = arith.remsi %scan3A_85, %select_n3A : i32
      %ne3A = arith.constant 0 : i32
      %ne3A_88 = arith.cmpi ne, %rem3A, %ne3A : i32
      %lt3A = arith.constant 0 : i32
      %lt3A_89 = arith.cmpi slt, %rem3A, %lt3A : i32
      %lt3A_90 = arith.constant 0 : i32
      %lt3A_91 = arith.cmpi slt, %select_n3A, %lt3A_90 : i32
      %ne3A_92 = arith.xori %lt3A_89, %lt3A_91 : i1
      %and3A = arith.andi %ne3A_92, %ne3A_88 : i1
      %add3A_93 = arith.addi %rem3A, %select_n3A : i32
      %select_n3A_94 = arith.select %and3A, %add3A_93, %rem3A : i32
      %dma_wait3A = arith.constant 0 : i32
      %dma_wait3A_95 = arith.constant 0 : i32
      %dma_wait3A_96 = tpu.memref_slice %arg6[%select_n3A_94, %dma_wait3A, %dma_wait3A_95] : memref<6x128x128xf32, #tpu.memory_space<vmem>> -> memref<1x128x128xf32, #tpu.memory_space<vmem>>
      %dma_wait3A_97 = tpu.memref_squeeze %dma_wait3A_96 : memref<1x128x128xf32, #tpu.memory_space<vmem>> -> memref<128x128xf32, #tpu.memory_space<vmem>>
      %dma_wait3A_98 = arith.constant 0 : i32
      %dma_wait3A_99 = tpu.memref_slice %arg5[%scan3A_85, %dma_wait3A_98] : memref<200x128xi32, #tpu.memory_space<vmem>> -> memref<1x128xi32, #tpu.memory_space<vmem>>
      %dma_wait3A_100 = tpu.memref_squeeze %dma_wait3A_99 : memref<1x128xi32, #tpu.memory_space<vmem>> -> memref<128xi32, #tpu.memory_space<vmem>>
      %dma_wait3A_101 = arith.constant 0 : i32
      %dma_wait3A_102 = arith.constant 0 : i32
      %dma_wait3A_103 = tpu.memref_slice %arg2[%dma_wait3A_101, %dma_wait3A_102] : memref<1000000x128xf32, #tpu.memory_space<hbm>> -> memref<1000000x128xf32, #tpu.memory_space<hbm>>
      %dma_wait3A_104 = tpu.memref_slice %arg7[%select_n3A_94] : memref<6x!tpu.dma_semaphore, #tpu.memory_space<semaphore_mem>> -> memref<1x!tpu.dma_semaphore, #tpu.memory_space<semaphore_mem>>
      %dma_wait3A_105 = tpu.memref_squeeze %dma_wait3A_104 : memref<1x!tpu.dma_semaphore, #tpu.memory_space<semaphore_mem>> -> memref<!tpu.dma_semaphore, #tpu.memory_space<semaphore_mem>>
      tpu.wait_indirect_dma semaphore(%dma_wait3A_105 : memref<!tpu.dma_semaphore, #tpu.memory_space<semaphore_mem>>) src(%dma_wait3A_103 : memref<1000000x128xf32, #tpu.memory_space<hbm>>) dst(%dma_wait3A_97 : memref<128x128xf32, #tpu.memory_space<vmem>>)
      %jit3A_106 = arith.constant 6 : i32
      %eq3A_107 = arith.constant 0 : i32
      %eq3A_108 = arith.cmpi eq, %jit3A_106, %eq3A_107 : i32
      %jit3A_109 = arith.constant 1 : i32
      %select_n3A_110 = arith.select %eq3A_108, %jit3A_109, %jit3A_106 : i32
      %rem3A_111 = arith.remsi %scan3A_85, %select_n3A_110 : i32
      %ne3A_112 = arith.constant 0 : i32
      %ne3A_113 = arith.cmpi ne, %rem3A_111, %ne3A_112 : i32
      %lt3A_114 = arith.constant 0 : i32
      %lt3A_115 = arith.cmpi slt, %rem3A_111, %lt3A_114 : i32
      %lt3A_116 = arith.constant 0 : i32
      %lt3A_117 = arith.cmpi slt, %select_n3A_110, %lt3A_116 : i32
      %ne3A_118 = arith.xori %lt3A_115, %lt3A_117 : i1
      %and3A_119 = arith.andi %ne3A_118, %ne3A_113 : i1
      %add3A_120 = arith.addi %rem3A_111, %select_n3A_110 : i32
      %select_n3A_121 = arith.select %and3A_119, %add3A_120, %rem3A_111 : i32
      %mul3A_122 = arith.constant 128 : i32
      %mul3A_123 = arith.muli %scan3A_85, %mul3A_122 : i32
      %add3A_124 = arith.addi %mul3A_2, %mul3A_123 : i32
      %dma_start3A_125 = arith.constant 0 : i32
      %dma_start3A_126 = arith.constant 0 : i32
      %dma_start3A_127 = tpu.memref_slice %arg6[%select_n3A_121, %dma_start3A_125, %dma_start3A_126] : memref<6x128x128xf32, #tpu.memory_space<vmem>> -> memref<1x128x128xf32, #tpu.memory_space<vmem>>
      %dma_start3A_128 = tpu.memref_squeeze %dma_start3A_127 : memref<1x128x128xf32, #tpu.memory_space<vmem>> -> memref<128x128xf32, #tpu.memory_space<vmem>>
      %dma_start3A_129 = arith.constant 0 : i32
      %dma_start3A_130 = tpu.memref_slice %arg4[%add3A_124, %dma_start3A_129] : memref<819200x128xf32, #tpu.memory_space<hbm>> -> memref<128x128xf32, #tpu.memory_space<hbm>>
      %dma_start3A_131 = tpu.memref_slice %arg8[%select_n3A_121] : memref<6x!tpu.dma_semaphore, #tpu.memory_space<semaphore_mem>> -> memref<1x!tpu.dma_semaphore, #tpu.memory_space<semaphore_mem>>
      %dma_start3A_132 = tpu.memref_squeeze %dma_start3A_131 : memref<1x!tpu.dma_semaphore, #tpu.memory_space<semaphore_mem>> -> memref<!tpu.dma_semaphore, #tpu.memory_space<semaphore_mem>>
      %dma_start3A_133 = arith.constant 0 : i32
      %dma_start3A_134 = tpu.memref_slice %arg4[%add3A_124, %dma_start3A_133] : memref<819200x128xf32, #tpu.memory_space<hbm>> -> memref<128x128xf32, #tpu.memory_space<hbm>>
      %dma_start3A_135 = arith.constant 0 : i32
      %dma_start3A_136 = arith.constant 0 : i32
      %dma_start3A_137 = tpu.memref_slice %arg6[%select_n3A_121, %dma_start3A_135, %dma_start3A_136] : memref<6x128x128xf32, #tpu.memory_space<vmem>> -> memref<1x128x128xf32, #tpu.memory_space<vmem>>
      %dma_start3A_138 = tpu.memref_squeeze %dma_start3A_137 : memref<1x128x128xf32, #tpu.memory_space<vmem>> -> memref<128x128xf32, #tpu.memory_space<vmem>>
      tpu.enqueue_dma source(%dma_start3A_138 : memref<128x128xf32, #tpu.memory_space<vmem>>) target(%dma_start3A_134 : memref<128x128xf32, #tpu.memory_space<hbm>>) target_semaphore(%dma_start3A_132 : memref<!tpu.dma_semaphore, #tpu.memory_space<semaphore_mem>>)
    }
    %scan3A_78 = arith.constant 4 : i32
    %scan3A_79 = arith.constant 0 : i32
    %scan3A_80 = arith.constant 194 : i32
    %scan3A_81 = arith.constant 6 : i32
    %scan3A_82 = arith.addi %scan3A_80, %scan3A_81 : i32
    %scan3A_83 = arith.constant 1 : i32
    scf.for %scan3A_85 = %scan3A_80 to %scan3A_82 step %scan3A_83  : i32 {
      %jit3A = arith.constant 6 : i32
      %eq3A = arith.constant 0 : i32
      %eq3A_86 = arith.cmpi eq, %jit3A, %eq3A : i32
      %jit3A_87 = arith.constant 1 : i32
      %select_n3A = arith.select %eq3A_86, %jit3A_87, %jit3A : i32
      %rem3A = arith.remsi %scan3A_85, %select_n3A : i32
      %ne3A = arith.constant 0 : i32
      %ne3A_88 = arith.cmpi ne, %rem3A, %ne3A : i32
      %lt3A = arith.constant 0 : i32
      %lt3A_89 = arith.cmpi slt, %rem3A, %lt3A : i32
      %lt3A_90 = arith.constant 0 : i32
      %lt3A_91 = arith.cmpi slt, %select_n3A, %lt3A_90 : i32
      %ne3A_92 = arith.xori %lt3A_89, %lt3A_91 : i1
      %and3A = arith.andi %ne3A_92, %ne3A_88 : i1
      %add3A_93 = arith.addi %rem3A, %select_n3A : i32
      %select_n3A_94 = arith.select %and3A, %add3A_93, %rem3A : i32
      %mul3A_95 = arith.constant 128 : i32
      %mul3A_96 = arith.muli %scan3A_85, %mul3A_95 : i32
      %add3A_97 = arith.addi %mul3A_2, %mul3A_96 : i32
      %dma_wait3A = arith.constant 0 : i32
      %dma_wait3A_98 = arith.constant 0 : i32
      %dma_wait3A_99 = tpu.memref_slice %arg6[%select_n3A_94, %dma_wait3A, %dma_wait3A_98] : memref<6x128x128xf32, #tpu.memory_space<vmem>> -> memref<1x128x128xf32, #tpu.memory_space<vmem>>
      %dma_wait3A_100 = tpu.memref_squeeze %dma_wait3A_99 : memref<1x128x128xf32, #tpu.memory_space<vmem>> -> memref<128x128xf32, #tpu.memory_space<vmem>>
      %dma_wait3A_101 = arith.constant 0 : i32
      %dma_wait3A_102 = tpu.memref_slice %arg4[%add3A_97, %dma_wait3A_101] : memref<819200x128xf32, #tpu.memory_space<hbm>> -> memref<128x128xf32, #tpu.memory_space<hbm>>
      %dma_wait3A_103 = tpu.memref_slice %arg8[%select_n3A_94] : memref<6x!tpu.dma_semaphore, #tpu.memory_space<semaphore_mem>> -> memref<1x!tpu.dma_semaphore, #tpu.memory_space<semaphore_mem>>
      %dma_wait3A_104 = tpu.memref_squeeze %dma_wait3A_103 : memref<1x!tpu.dma_semaphore, #tpu.memory_space<semaphore_mem>> -> memref<!tpu.dma_semaphore, #tpu.memory_space<semaphore_mem>>
      %dma_wait3A_105 = arith.constant 0 : i32
      %dma_wait3A_106 = tpu.memref_slice %arg4[%add3A_97, %dma_wait3A_105] : memref<819200x128xf32, #tpu.memory_space<hbm>> -> memref<128x128xf32, #tpu.memory_space<hbm>>
      %dma_wait3A_107 = arith.constant 0 : i32
      %dma_wait3A_108 = arith.constant 0 : i32
      %dma_wait3A_109 = tpu.memref_slice %arg6[%select_n3A_94, %dma_wait3A_107, %dma_wait3A_108] : memref<6x128x128xf32, #tpu.memory_space<vmem>> -> memref<1x128x128xf32, #tpu.memory_space<vmem>>
      %dma_wait3A_110 = tpu.memref_squeeze %dma_wait3A_109 : memref<1x128x128xf32, #tpu.memory_space<vmem>> -> memref<128x128xf32, #tpu.memory_space<vmem>>
      tpu.wait_dma2 semaphore(%dma_wait3A_104 : memref<!tpu.dma_semaphore, #tpu.memory_space<semaphore_mem>>) src(%dma_wait3A_110 : memref<128x128xf32, #tpu.memory_space<vmem>>) dst(%dma_wait3A_106 : memref<128x128xf32, #tpu.memory_space<hbm>>)
    }
    %scan3A_84 = arith.constant 6 : i32
    return
  }
}

</mosaic_0001>

<sc_bundles>
// kernel: _gather.3.cloned.1.call-start
scs
__scs_entry_jumppad:
0x0: {  	(pc) =	sbr.rel $0x88, $3  }
0x1: {  	(tag) =	ssettag $0x0;
	lr =	simm.s32 $0x1  }
0x2: {  	[smem:$0x3F9F] =	sst lr;
	_ =	strace $0xD0000000  }
0x3: {  	_ = 	snop  }
0x4: {  	_ = 	snop  }
0x5: {  	_ = 	snop  }
0x6: {  	_ = 	snop  }
0x7: {  	_ = 	snop  }
__scs_overlays_trampoline_lowered:
0x8: {  	[smem:$0x3FAE] =	sst s0  }
0x9: {  	[smem:$0x3FAF] =	sst s1  }
0xa: {  	[smem:$0x3FB0] =	sst s2  }
0xb: {  	[smem:$0x3FB1] =	sst s3  }
0xc: {  	[smem:$0x3FB2] =	sst s4  }
0xd: {  	[smem:$0x3FB3] =	sst s5  }
0xe: {  	[smem:$0x3FB4] =	sst s6  }
0xf: {  	[smem:$0x3FB5] =	sst s7  }
0x10: {  	[smem:$0x3FB6] =	sst s8  }
0x11: {  	[smem:$0x3FB7] =	sst s9;
	s0 =	simm.s32 @!p0 $0x0  }
0x12: {  	s1 =	sld [smem:$0x3F9D];
	s0 =	simm.s32 @p0 $0x1  }
0x13: {  	[smem:$0x3FB8] =	sst s0;
	s0 =	simm.s32 @!p1 $0x0  }
0x14: {  	s2 =	sld [smem:$0x3F9C];
	s0 =	simm.s32 @p1 $0x1  }
0x15: {  	[smem:$0x3FB9] =	sst s0;
	s0 =	simm.s32 @!p2 $0x0  }
0x16: {  	s3 =	sld [smem:$0x3FDB];
	s0 =	simm.s32 @p2 $0x1  }
0x17: {  	s4 =	simm.s32 $0x1BF5;
	[smem:$0x3FBB] =	sst s0  }
0x18: {  	s0 =	sld [smem:$0x3F9E];
	_ =	swait.ge [sflag:s4], $0x0  }
0x19: {  	s7 =	sld [smem:$0x3F9F]  }
0x1a: {  	s8 =	sadd.s32 $0xFFFFE003, lr  }
0x1b: {  	s9 =	sadd.s32 $0xFFFFFEF7, lr;
	s5 =	simm.s32 $0xFFFFFFFF;
	p2 =	slt.u32 s8, $0xFFFFF086  }
0x1c: {  	p1 =	slt.u32 s9, $0xF7A;
	s5 =	simm.s32 @!p2 $0x0  }
0x1d: {  	s5 =	simm.s32 @p1 $0x1;
	p0 =	seq.s32 s7, s2  }
0x1e: {  	s7 =	smul.u32 @!p0 $0xF7A, s2;
	p2 =	seq.s32 @!p0 s5, $0x0  }
0x1f: {  	s9 =	smul.u32 $0xF7A, s1;
	s8 =	simm.s32 @!p0 $0x1BF5;
	p2 =	por !p2, p0  }
0x20: {  	[sflag:s8] =	ssyncset.s32 @!p0 $0xFFFFF086;
	s6 =	sadd.s32 @!p0 s3, s7;
	s7 =	simm.s32 @!p0 $0x108  }
0x21: {  	s3 =	sadd.s32 s3, s9;
	s6 =	sadd.s32 @!p0 $0x88, s6;
	s7 =	simm.s32 @p2 $0x1082  }
0x22: {  	[simem:s7], [sflag:s8] =	dma.local @!p0 [hbm:s6], $0xF7A  }
0x23: {  	s9 =	sor.u32 $0xD0000000, s2;
	s6 =	simm.s32 $0x108;
	_ =	swait.ge @!p0 [sflag:s8], $0x0  }
0x24: {  	s3 =	sadd.s32 $0x88, s3;
	s6 =	simm.s32 @!p1 $0x1082;
	[sflag:s4] =	ssyncset.s32 $0xFFFFF086  }
0x25: {  	[simem:s6], [sflag:s4] =	dma.local [hbm:s3], $0xF7A  }
0x26: {  	[smem:$0x3F9F] =	sst s1;
	(tag) =	ssettag s2;
	_ =	strace s9  }
0x27: {  	s1 =	sld [smem:$0x3FAF]  }
0x28: {  	s2 =	sld [smem:$0x3FB0]  }
0x29: {  	s4 =	sld [smem:$0x3FB2]  }
0x2a: {  	p0 =	seq.s32 s5, $0x0;
	s5 =	sld [smem:$0x3FB3]  }
0x2b: {  	s6 =	sld [smem:$0x3FB4]  }
0x2c: {  	s7 =	sld [smem:$0x3FB5]  }
0x2d: {  	s3 =	simm.s32 $0x108;
	s8 =	sld [smem:$0x3FB6]  }
0x2e: {  	s3 =	simm.s32 @!p0 $0x1082;
	s9 =	sld [smem:$0x3FB7]  }
0x2f: {  	lr =	sadd.s32 s0, s3;
	s0 =	sld [smem:$0x3FAE]  }
0x30: {  	s3 =	sld [smem:$0x3FB1]  }
0x31: {  	[smem:$0x3FBA] =	sst s10  }
0x32: {  	s10 =	sld [smem:$0x3FB8];
	_ =	sdelay $0x3  }
0x33: {  	p0 =	seq.s32 s10, $0x1;
	s10 =	sld [smem:$0x3FBA];
	_ =	sdelay $0x3  }
0x34: {  	[smem:$0x3FBA] =	sst s10  }
0x35: {  	s10 =	sld [smem:$0x3FB9];
	_ =	sdelay $0x3  }
0x36: {  	p1 =	seq.s32 s10, $0x1;
	s10 =	sld [smem:$0x3FBA];
	_ =	sdelay $0x3  }
0x37: {  	[smem:$0x3FBA] =	sst s10  }
0x38: {  	s10 =	sld [smem:$0x3FBB]  }
0x39: {  	_ = 	snop;
	(pc) =	sbr.ind lr, $3  }
0x3a: {  	_ = 	snop  }
0x3b: {  	_ = 	snop  }
0x3c: {  	p2 =	seq.s32 s10, $0x1;
	s10 =	sld [smem:$0x3FBA]  }
0x3d: {  	_ =	shalt  }
0x3e: {  	_ =	shalt  }
0x3f: {  	_ =	shalt  }
0x40: {  	_ =	shalt  }
0x41: {  	_ =	shalt  }
0x42: {  	_ =	shalt  }
0x43: {  	_ =	shalt  }
0x44: {  	_ =	shalt  }
0x45: {  	_ =	shalt  }
0x46: {  	_ =	shalt  }
0x47: {  	_ =	shalt  }
0x48: {  	_ =	shalt  }
0x49: {  	_ =	shalt  }
0x4a: {  	_ =	shalt  }
0x4b: {  	_ =	shalt  }
0x4c: {  	_ =	shalt  }
0x4d: {  	_ =	shalt  }
0x4e: {  	_ =	shalt  }
0x4f: {  	_ =	shalt  }
0x50: {  	_ =	shalt  }
0x51: {  	_ =	shalt  }
0x52: {  	_ =	shalt  }
0x53: {  	_ =	shalt  }
0x54: {  	_ =	shalt  }
0x55: {  	_ =	shalt  }
0x56: {  	_ =	shalt  }
0x57: {  	_ =	shalt  }
0x58: {  	_ =	shalt  }
0x59: {  	_ =	shalt  }
0x5a: {  	_ =	shalt  }
0x5b: {  	_ =	shalt  }
0x5c: {  	_ =	shalt  }
0x5d: {  	_ =	shalt  }
0x5e: {  	_ =	shalt  }
0x5f: {  	_ =	shalt  }
0x60: {  	_ =	shalt  }
0x61: {  	_ =	shalt  }
0x62: {  	_ =	shalt  }
0x63: {  	_ =	shalt  }
0x64: {  	_ =	shalt  }
0x65: {  	_ =	shalt  }
0x66: {  	_ =	shalt  }
0x67: {  	_ =	shalt  }
0x68: {  	_ =	shalt  }
0x69: {  	_ =	shalt  }
0x6a: {  	_ =	shalt  }
0x6b: {  	_ =	shalt  }
0x6c: {  	_ =	shalt  }
0x6d: {  	_ =	shalt  }
0x6e: {  	_ =	shalt  }
0x6f: {  	_ =	shalt  }
0x70: {  	_ =	shalt  }
0x71: {  	_ =	shalt  }
0x72: {  	_ =	shalt  }
0x73: {  	_ =	shalt  }
0x74: {  	_ =	shalt  }
0x75: {  	_ =	shalt  }
0x76: {  	_ =	shalt  }
0x77: {  	_ =	shalt  }
0x78: {  	_ =	shalt  }
0x79: {  	_ =	shalt  }
0x7a: {  	_ =	shalt  }
0x7b: {  	_ =	shalt  }
0x7c: {  	_ =	shalt  }
0x7d: {  	_ =	shalt  }
0x7e: {  	_ =	shalt  }
0x7f: {  	_ =	shalt  }
0x80: {  	_ =	shalt  }
0x81: {  	_ =	shalt  }
0x82: {  	_ =	shalt  }
0x83: {  	_ =	shalt  }
0x84: {  	_ =	shalt  }
0x85: {  	_ =	shalt  }
0x86: {  	_ =	shalt  }
0x87: {  	_ =	shalt  }
.Lfunc_end0:
.L_simem_size_0:
called_computation_lowered:
.L_overlay_start_0:
0x88: {  	s2 =	sld [smem:$0x3FD9]  }
0x89: {  	s3 =	sld [smem:$0x3FFE];
	_ =	sdelay $0x1  }
0x8a: {  	s1 =	srdreg.scid  }
0x8b: {  	s0 =	sand.u32 $0x1, s1  }
0x8c: {  	s18 =	sshll.u32 s0, $0xA;
	s2 =	sadd.s32 s3, s2  }
0x8d: {  	s2 =	sadd.s32 s2, s18  }
0x8e: {  	[smem:$0x3FC6] =	sst s2  }
0x8f: {  	_ = 	snop  }
0x90: {  	s2 =	sld [smem:$0x3FC9]  }
0x91: {  	s19 =	sld [smem:$0x3FC8]  }
0x92: {  	s4 =	sld [smem:$0x3FD0];
	(tm) =	ssettm $0x1  }
0x93: {  	s5 =	sld [smem:$0x3FFB];
	_ =	sdelay $0x3  }
0x94: {  	_ =	strace s5  }
0x95: {  	s5 =	sld [smem:$0x3FFC];
	_ =	sdelay $0x3  }
0x96: {  	_ =	strace s5  }
0x97: {  	s5 =	sld [smem:$0x3FFD];
	_ =	sdelay $0x3  }
0x98: {  	_ =	strace s5  }
0x99: {  	_ =	strace $0x8FFFFFFF  }
0x9a: {  	s20 =	sld [smem:$0x3FDB];
	_ =	sdelay $0x1  }
0x9b: {  	s6 =	simm.s32 $_scs_section_size  }
0x9c: {  	s7 =	simm.s32 $_size__tile_overlayer_lowered;
	s8 =	simm.s32 $_tile_overlayer_lowered  }
0x9d: {  	s23 =	simm.s32 $0x1BFF;
	s22 =	sshll.u32 s8, $0x1;
	s5 =	sadd.s32 s6, s20  }
0x9e: {  	s9 =	simm.s32 $0x0;
	s21 =	sshll.u32 s7, $0x1;
	s7 =	sadd.s32 s22, s5  }
0x9f: {  	[timem:s9], [sflag:s23] =	dma.local [hbm:s7], s21  }
0xa0: {  	_ =	swait.ge [sflag:s23], s21  }
0xa1: {  	s6 =	ssub.s32 $0x0, s21;
	[sflag:s23] =	ssyncset.done $0x0  }
0xa2: {  	[sflag:s23] =	ssyncadd.s32 s6;
	_ =	sdelay $0x1  }
0xa3: {  	s24 =	simm.s32 $0x1B8B  }
0xa4: {  	_ =	swait.ge [sflag:s24], $0x1  }
0xa5: {  	[sflag:s24] =	ssyncset.done $0x0  }
0xa6: {  	s25 =	simm.s32 $0x1B8E;
	[sflag:s24] =	ssyncadd.s32 $0xFFFFFFFF  }
0xa7: {  	s26 =	simm.s32 $execute0_lowered;
	[smem:$0x3FD2] =	sst s25  }
0xa8: {  	s6 =	sshll.u32 s26, $0x1;
	_ =	strace $0x80000046;
	[dreg:$0x1] =	wrdreg $0xFFFFFFFF  }
0xa9: {  	s28 =	simm.s32 $_size_execute0_lowered;
	s5 =	sadd.s32 s5, s6;
	[dreg:$0x0] =	wrdreg $0x0  }
0xaa: {  	s6 =	sshll.u32 s28, $0x1;
	[dreg:$0x2] =	wrdreg s5  }
0xab: {  	[dreg:$0x3] =	wrdreg s6  }
0xac: {  	[dreg:$0x4] =	wrdreg $0xC0  }
0xad: {  	_ =	task [dreg:s9], $0x5FFFF  }
0xae: {  	[dreg:$0x1] =	wrdreg $0xFFFFFFFF  }
0xaf: {  	[dreg:$0x0] =	wrdreg $0x60  }
0xb0: {  	[dreg:$0x2] =	wrdreg s19  }
0xb1: {  	[dreg:$0x3] =	wrdreg s2  }
0xb2: {  	[dreg:$0x4] =	wrdreg s4  }
0xb3: {  	[dreg:$0x5] =	wrdreg $0x9  }
0xb4: {  	_ =	task.clear_ibuf [dreg:s9], $0x6FFFF;
	_ =	strace $0x90000046  }
0xb5: {  	s29 =	simm.s32 $0x9;
	_ =	strace $0x80000048  }
0xb6: {  	_ =	swait.ge [sflag:s29], $0x1  }
0xb7: {  	[sflag:s29] =	ssyncadd.s32 $0xFFFFFFFF  }
0xb8: {  	_ =	strace $0x90000048  }
0xb9: {  	_ =	sfence  }
0xba: {  	s30 =	sld [smem:$0x0];
	_ =	sdelay $0x2  }
0xbb: {  	s31 =	sshll.u32 s1, $0xD;
	s1 =	sshrl.u32 s1, $0x2  }
0xbc: {  	s3 =	sand.u32 $0x4000, s31;
	s1 =	sadd.s32 s1, s30  }
0xbd: {  	s0 =	sor.u32 s3, s0;
	s1 =	sshll.u32 s1, $0x11  }
0xbe: {  	s0 =	sor.u32 s1, s0  }
0xbf: {  	s0 =	sadd.s32 $0x8F2B, s0  }
0xc0: {  	[sflag:s0] =	ssyncadd.remote.s32 $0x1  }
0xc1: {  	_ =	sfence.sel $0xFFFF  }
0xc2: {  	[dreg:$0x0] =	wrdreg $0xFFFFFFFF;
	(pc) =	sbr.abs _section_cstart, $3  }
0xc3: {  	[dreg:$0x1] =	wrdreg $0xFFFFFFFF  }
0xc4: {  	_ =	task.clear_ibuf [dreg:s9], $0x2FFFF;
	_ =	strace $0x9FFFFFFF  }
0xc5: {  	(tm) =	ssettm $0x7FFFFFFF  }
tec
execute0_lowered:
.L_overlay_start_1:
0x0: {  	(tag) =	ssettag $0x1  }
0x1: {  	s1 =	rddreg [dreg:$0x0]  }
0x2: {  	s0 =	srdreg.scid;
	s2 =	rddreg [dreg:$0x1]  }
0x3: {  	s8 =	stileid.u32;
	s4 =	rddreg [dreg:$0x2]  }
0x4: {  	s13 =	simm.s32 $0xD;
	s14 =	simm.s32 $0x80;
	s15 =	simm.s32 $0x6400  }
0x5: {  	s16 =	simm.s32 $0xA400;
	s28 =	simm.s32 $0x5;
	s29 =	simm.s32 $0x6  }
0x6: {  	s30 =	simm.s32 $0x9;
	s31 =	simm.s32 $0xA;
	s17 =	simm.s32 $0x7  }
0x7: {  	s0 =	sand.u32 $0x1, s0;
	s3 =	sshll.u32 s8, $0x1;
	s8 =	smul.u32 $0x640000, s8  }
0x8: {  	s5 =	sor.u32 s0, s3;
	s7 =	ssub.s32 $0x2, s0;
	s0 =	smul.u32 $0x320000, s0  }
0x9: {  	s18 =	simm.s32 $0x8;
	s3 =	simm.s32 $0x0;
	s6 =	smul.u32 $0xC80, s5  }
0xa: {  	[smem:$0x7FF] =	sst s3;
	s5 =	smul.u32 $0x320000, s5;
	s9 =	sshrl.u32 s7, $0x1  }
0xb: {  	_ =	strace $0x80000047;
	s7 =	ssub.s32 s7, s9;
	s2 =	sadd.s32 s2, s6  }
0xc: {  	s5 =	sshrl.u32 s5, $0x3;
	s22 =	smax.u32 s7, $0x1;
	[dreg:$0x4] =	wrdreg s2  }
0xd: {  	s19 =	simm.s32 $0x0;
	s21 =	sadd.s32 s4, s5;
	[dreg:$0x6] =	wrdreg s22  }
0xe: {  	s0 =	sadd.s32 s0, s8;
	s23 =	sadd.s32 $0x800, s21;
	[dreg:$0x5] =	wrdreg s21  }
0xf: {  	s8 =	simm.s32 $0x1A400;
	s24 =	sadd.s32 $0x62000, s21;
	[dreg:$0x7] =	wrdreg s23  }
0x10: {  	s0 =	sor.u32 $0x8000, s0;
	s25 =	sadd.s32 $0x62800, s21;
	[dreg:$0x8] =	wrdreg s24  }
0x11: {  	s7 =	simm.s32 $0x16400;
	s26 =	sadd.s32 $0x63000, s21;
	[dreg:$0x9] =	wrdreg s25  }
0x12: {  	s0 =	sshrl.u32 s0, $0x3;
	s2 =	sadd.s32 $0x63800, s21;
	[dreg:$0xa] =	wrdreg s26  }
0x13: {  	s4 =	sadd.s32 s0, s4;
	s0 =	simm.s32 $0xC;
	[dreg:$0xb] =	wrdreg s2  }
0x14: {  	s23 =	simm.s32 $0x1;
	s26 =	simm.s32 $0x2;
	s2 =	simm.s32 $0xB  }
.LBB2_1:
0x15: {  	s5 =	rddreg [dreg:$0x4]  }
0x16: {  	[tilespmem:s3], [sflag:$0xD] =	stream.linear.gather [hbm4b:s5+s3], $0x6400, $0x38;
	[tilespmem:$0x1E400] =	vst v63  }
0x17: {  	_ =	swait.ge [sflag:s13], $0x6400  }
0x18: {  	[sflag:s13] =	ssyncset.done $0x0  }
0x19: {  	[sflag:s13] =	ssyncadd.s32 $0xFFFF9C00  }
0x1a: {  	[tilespmem:s15], [sflag:$0x1] =	stream.indirect.gather [hbm4b:s1+s14], $0x80, s3, s14, $0xb8;
	[tilespmem:$0x1E400] =	vst v63  }
0x1b: {  	_ = 	snop  }
0x1c: {  	[tilespmem:s16], [sflag:$0x2] =	stream.indirect.gather [hbm4b:s1+s14], $0x80, s14, s14, $0xb8;
	[tilespmem:$0x1E400] =	vst v63  }
0x1d: {  	s22 =	simm.s32 $0x100;
	s6 =	simm.s32 $0xE400;
	s12 =	simm.s32 $0x0  }
0x1e: {  	[tilespmem:s6], [sflag:$0x3] =	stream.indirect.gather [hbm4b:s1+s14], $0x80, s22, s14, $0xb8;
	[tilespmem:$0x1E400] =	vst v63  }
0x1f: {  	s24 =	simm.s32 $0x180;
	s25 =	simm.s32 $0x12400;
	s6 =	smul.u32 $0x2AAB, s12  }
0x20: {  	[tilespmem:s25], [sflag:$0x4] =	stream.indirect.gather [hbm4b:s1+s14], $0x80, s24, s14, $0xb8;
	[tilespmem:$0x1E400] =	vst v63  }
0x21: {  	s21 =	sshrl.u32 s6, $0x1F;
	s6 =	sshrl.u32 s6, $0x10  }
0x22: {  	s9 =	simm.s32 $0x200;
	s6 =	sadd.s32 s21, s6  }
0x23: {  	[tilespmem:s7], [sflag:$0x5] =	stream.indirect.gather [hbm4b:s1+s14], $0x80, s9, s14, $0xb8;
	[tilespmem:$0x1E400] =	vst v63  }
0x24: {  	s11 =	simm.s32 $0x280;
	s22 =	sand.u32 $0xFF, s29;
	s6 =	smul.u32 $0x6, s6  }
0x25: {  	s7 =	smul.u32 $0xAB, s22;
	s9 =	simm.s32 $0x2;
	_ =	swait.ge [sflag:s23], $0x4000  }
0x26: {  	s9 =	smul.u32 $0xAB, s9;
	[sflag:s23] =	ssyncset.done $0x0;
	s6 =	ssub.s32 $0x0, s6  }
0x27: {  	s10 =	rddreg [dreg:$0x5];
	[sflag:s23] =	ssyncadd.s32 $0xFFFFC000;
	s6 =	sshll.u32 s6, $0x10  }
0x28: {  	[hbm4b:s10+s3] =	stream.linear.scatter [tilespmem:s15], [sflag:$0x7], $0x4000, $0x38;
	[tilespmem:$0x1E400] =	vst v63  }
0x29: {  	s24 =	sshrl.u32 s7, $0xA;
	s25 =	sshrl.u32 s9, $0xA;
	s10 =	sshra.s32 s6, $0x10  }
0x2a: {  	s6 =	simm.s32 $0x8;
	p0 =	slt.s32 s10, $0x0;
	s7 =	sadd.s32 $0x6, s10  }
0x2b: {  	[tilespmem:s8], [sflag:$0x6] =	stream.indirect.gather [hbm4b:s1+s14], $0x80, s11, s14, $0xb8;
	[tilespmem:$0x1E400] =	vst v63  }
0x2c: {  	s8 =	simm.s32 $0x300;
	s11 =	smul.u32 $0x6, s24;
	s10 =	smov.u32 @p0 s7  }
0x2d: {  	s7 =	sand.u32 $0x3F, s25;
	s24 =	simm.s32 $0x380;
	_ =	swait.ge [sflag:s26], $0x4000  }
0x2e: {  	s5 =	sadd.s32 $0x7, s10;
	s7 =	smul.u32 $0x6, s7;
	[sflag:s26] =	ssyncset.done $0x0  }
0x2f: {  	s20 =	rddreg [dreg:$0x7];
	s11 =	ssub.s32 $0x6, s11;
	[sflag:s26] =	ssyncadd.s32 $0xFFFFC000  }
0x30: {  	[hbm4b:s20+s3] =	stream.linear.scatter [tilespmem:s16], [sflag:$0x8], $0x4000, $0x38;
	[tilespmem:$0x1E400] =	vst v63  }
0x31: {  	s10 =	sand.u32 $0xFF, s11;
	s22 =	ssub.s32 $0x2, s7;
	_ =	swait.ge [sflag:s5], $0x4000  }
0x32: {  	s7 =	simm.s32 $0x1;
	s12 =	sshll.u32 s10, $0xE;
	[sflag:s5] =	ssyncset.done $0x0  }
0x33: {  	s10 =	sadd.s32 $0x1, s10;
	s21 =	sadd.s32 $0x6400, s12;
	[sflag:s5] =	ssyncadd.s32 $0xFFFFC000  }
0x34: {  	[tilespmem:s21], [sflag:s10] =	stream.indirect.gather [hbm4b:s1+s14], $0x80, s8, s14, $0xb8;
	[tilespmem:$0x1E400] =	vst v63  }
0x35: {  	s20 =	simm.s32 $0x7;
	s12 =	smov.u32 s4;
	s8 =	sand.u32 $0xFF, s22  }
0x36: {  	s21 =	sadd.s32 $0x800, s4;
	s11 =	sadd.s32 $0x1, s8;
	s25 =	sshll.u32 s8, $0xE  }
0x37: {  	s22 =	simm.s32 $0x1;
	_ =	swait.ge [sflag:s11], $0x4000;
	s10 =	sadd.s32 $0x6400, s25  }
.LBB2_2:
0x38: {  	s22 =	smul.u32 $0x2AAB, s22;
	[sflag:s11] =	ssyncset.done $0x0;
	s25 =	smov.u32 s20  }
0x39: {  	s20 =	smov.u32 s6;
	s9 =	sadd.s32 $0x1, s6;
	s5 =	smov.u32 s24  }
0x3a: {  	p0 =	sne.s32 s6, $0xC7;
	[sflag:s11] =	ssyncadd.s32 $0xFFFFC000  }
0x3b: {  	s6 =	sshrl.u32 s22, $0x1F;
	s11 =	sshrl.u32 s22, $0x10  }
0x3c: {  	s8 =	sadd.s32 $0x7, s8;
	s6 =	sadd.s32 s6, s11  }
0x3d: {  	s11 =	sand.u32 $0xFF, s25;
	s6 =	smul.u32 $0x6, s6  }
0x3e: {  	[hbm4b:s12+s3] =	stream.linear.scatter [tilespmem:s10], [sflag:s8], $0x4000, $0x38;
	[tilespmem:$0x1E400] =	vst v63  }
0x3f: {  	s8 =	sadd.s32 $0xFFFFFFFC, s25;
	s6 =	ssub.s32 s7, s6;
	s7 =	smul.u32 $0xAB, s11  }
0x40: {  	s10 =	smul.u32 $0xAB, s8  }
0x41: {  	s12 =	smov.u32 s21;
	s6 =	sshll.u32 s6, $0x10  }
0x42: {  	s6 =	sshra.s32 s6, $0x10;
	s7 =	sshrl.u32 s7, $0xA;
	s10 =	sshrl.u32 s10, $0xA  }
0x43: {  	p1 =	slt.s32 s6, $0x0;
	s11 =	sadd.s32 $0x6, s6;
	s7 =	smul.u32 $0x6, s7  }
0x44: {  	s24 =	sadd.s32 $0x80, s24;
	s10 =	sand.u32 $0x3F, s10;
	s6 =	smov.u32 @p1 s11  }
0x45: {  	s10 =	smul.u32 $0x6, s10;
	s6 =	sadd.s32 $0x7, s6;
	s7 =	ssub.s32 s25, s7  }
0x46: {  	_ =	swait.ge [sflag:s6], $0x4000;
	s7 =	sand.u32 $0xFF, s7  }
0x47: {  	s8 =	ssub.s32 s8, s10;
	[sflag:s6] =	ssyncset.done $0x0  }
0x48: {  	s11 =	sshll.u32 s7, $0xE;
	s7 =	sadd.s32 $0x1, s7;
	s8 =	sand.u32 $0xFF, s8  }
.Ltmp0:
0x49: {  	[sflag:s6] =	ssyncadd.s32 $0xFFFFC000;
	s6 =	sadd.s32 $0x6400, s11;
	(pc) =	sbr.rel @p0 .LBB2_2-.Ltmp0, $4  }
0x4a: {  	[tilespmem:s6], [sflag:s7] =	stream.indirect.gather [hbm4b:s1+s14], $0x80, s5, s14, $0xb8;
	[tilespmem:$0x1E400] =	vst v63  }
0x4b: {  	s21 =	sadd.s32 $0x800, s21;
	s7 =	sadd.s32 $0xFFFFFFFA, s20;
	s6 =	sshll.u32 s8, $0xE  }
0x4c: {  	s11 =	sadd.s32 $0x1, s8;
	s5 =	sshll.u32 s7, $0x10;
	s10 =	sadd.s32 $0x6400, s6  }
0x4d: {  	s6 =	smov.u32 s9;
	s22 =	sshra.s32 s5, $0x10;
	_ =	swait.ge [sflag:s11], $0x4000  }
0x4e: {  	s5 =	smul.u32 $0x2AAB, s22;
	_ =	sdelay $0x1  }
0x4f: {  	s6 =	sshrl.u32 s5, $0x1F;
	s5 =	sshrl.u32 s5, $0x10  }
0x50: {  	[sflag:s11] =	ssyncset.done $0x0;
	s9 =	sadd.s32 $0x7, s8;
	s5 =	sadd.s32 s6, s5  }
0x51: {  	[sflag:s11] =	ssyncadd.s32 $0xFFFFC000;
	s11 =	sand.u32 $0xFF, s20;
	s5 =	smul.u32 $0x6, s5  }
0x52: {  	[hbm4b:s12+s3] =	stream.linear.scatter [tilespmem:s10], [sflag:s9], $0x4000, $0x38;
	[tilespmem:$0x1E400] =	vst v63  }
0x53: {  	s6 =	smul.u32 $0xAB, s11;
	s5 =	ssub.s32 s7, s5  }
0x54: {  	s12 =	sadd.s32 $0xFFFFFFFC, s20;
	s5 =	sshll.u32 s5, $0x10  }
0x55: {  	s22 =	smul.u32 $0xAB, s12;
	s6 =	sshrl.u32 s6, $0xA;
	s5 =	sshra.s32 s5, $0x10  }
0x56: {  	s6 =	smul.u32 $0x6, s6;
	p0 =	slt.s32 s5, $0x0;
	s7 =	sadd.s32 $0x6, s5  }
0x57: {  	s5 =	smov.u32 @p0 s7;
	s7 =	sshrl.u32 s22, $0xA  }
0x58: {  	s6 =	ssub.s32 s20, s6;
	s5 =	sadd.s32 $0x7, s5;
	s7 =	sand.u32 $0x3F, s7  }
0x59: {  	s6 =	sand.u32 $0xFF, s6;
	_ =	swait.ge [sflag:s5], $0x4000;
	s7 =	smul.u32 $0x6, s7  }
0x5a: {  	s25 =	sshll.u32 s6, $0xE;
	s6 =	sadd.s32 $0x1, s6;
	[sflag:s5] =	ssyncset.done $0x0  }
0x5b: {  	[sflag:s5] =	ssyncadd.s32 $0xFFFFC000;
	s5 =	sadd.s32 $0x6400, s25;
	s9 =	ssub.s32 s12, s7  }
0x5c: {  	[tilespmem:s5], [sflag:s6] =	stream.indirect.gather [hbm4b:s1+s14], $0x80, s24, s14, $0xb8;
	[tilespmem:$0x1E400] =	vst v63  }
0x5d: {  	s5 =	sand.u32 $0xFF, s9  }
0x5e: {  	s10 =	sadd.s32 $0x1, s5  }
0x5f: {  	_ =	swait.ge [sflag:s10], $0x4000  }
0x60: {  	s11 =	sshll.u32 s5, $0xE;
	[sflag:s10] =	ssyncset.done $0x0  }
0x61: {  	s5 =	sadd.s32 $0x7, s5;
	s12 =	sadd.s32 $0x6400, s11;
	[sflag:s10] =	ssyncadd.s32 $0xFFFFC000  }
0x62: {  	[hbm4b:s21+s3] =	stream.linear.scatter [tilespmem:s12], [sflag:s5], $0x4000, $0x38;
	[tilespmem:$0x1E400] =	vst v63  }
0x63: {  	_ =	swait.ge [sflag:s28], $0x4000  }
0x64: {  	[sflag:s28] =	ssyncset.done $0x0  }
0x65: {  	s7 =	simm.s32 $0x16400;
	s20 =	rddreg [dreg:$0x8];
	[sflag:s28] =	ssyncadd.s32 $0xFFFFC000  }
0x66: {  	[hbm4b:s20+s3] =	stream.linear.scatter [tilespmem:s7], [sflag:$0xB], $0x4000, $0x38;
	[tilespmem:$0x1E400] =	vst v63  }
0x67: {  	_ =	swait.ge [sflag:s29], $0x4000  }
0x68: {  	[sflag:s29] =	ssyncset.done $0x0  }
0x69: {  	s8 =	simm.s32 $0x1A400;
	s21 =	rddreg [dreg:$0x9];
	[sflag:s29] =	ssyncadd.s32 $0xFFFFC000  }
0x6a: {  	[hbm4b:s21+s3] =	stream.linear.scatter [tilespmem:s8], [sflag:$0xC], $0x4000, $0x38;
	[tilespmem:$0x1E400] =	vst v63  }
0x6b: {  	_ =	swait.ge [sflag:s23], $0x4000  }
0x6c: {  	[sflag:s23] =	ssyncset.done $0x0  }
0x6d: {  	s22 =	rddreg [dreg:$0xa];
	[sflag:s23] =	ssyncadd.s32 $0xFFFFC000  }
0x6e: {  	[hbm4b:s22+s3] =	stream.linear.scatter [tilespmem:s15], [sflag:$0x7], $0x4000, $0x38;
	[tilespmem:$0x1E400] =	vst v63  }
0x6f: {  	_ =	swait.ge [sflag:s26], $0x4000  }
0x70: {  	[sflag:s26] =	ssyncset.done $0x0  }
0x71: {  	s24 =	rddreg [dreg:$0xb];
	[sflag:s26] =	ssyncadd.s32 $0xFFFFC000  }
0x72: {  	[hbm4b:s24+s3] =	stream.linear.scatter [tilespmem:s16], [sflag:$0x8], $0x4000, $0x38;
	[tilespmem:$0x1E400] =	vst v63  }
0x73: {  	_ =	swait.ge [sflag:s30], $0x4000  }
0x74: {  	[sflag:s30] =	ssyncset.done $0x0  }
0x75: {  	[sflag:s30] =	ssyncadd.s32 $0xFFFFC000  }
0x76: {  	_ =	swait.ge [sflag:s31], $0x4000  }
0x77: {  	[sflag:s31] =	ssyncset.done $0x0  }
0x78: {  	[sflag:s31] =	ssyncadd.s32 $0xFFFFC000  }
0x79: {  	_ =	swait.ge [sflag:s2], $0x4000  }
0x7a: {  	[sflag:s2] =	ssyncset.done $0x0  }
0x7b: {  	[sflag:s2] =	ssyncadd.s32 $0xFFFFC000  }
0x7c: {  	_ =	swait.ge [sflag:s0], $0x4000  }
0x7d: {  	[sflag:s0] =	ssyncset.done $0x0  }
0x7e: {  	[sflag:s0] =	ssyncadd.s32 $0xFFFFC000  }
0x7f: {  	_ =	swait.ge [sflag:s17], $0x4000  }
0x80: {  	[sflag:s17] =	ssyncset.done $0x0  }
0x81: {  	[sflag:s17] =	ssyncadd.s32 $0xFFFFC000  }
0x82: {  	_ =	swait.ge [sflag:s18], $0x4000  }
0x83: {  	s19 =	sadd.s32 $0x1, s19;
	s25 =	rddreg [dreg:$0x6]  }
0x84: {  	p0 =	sne.s32 s19, s25  }
.Ltmp1:
0x85: {  	_ = 	snop;
	(pc) =	sbr.rel @p0 .LBB2_1-.Ltmp1, $3  }
0x86: {  	_ =	sdelay $0x1  }
0x87: {  	[sflag:s18] =	ssyncset.done $0x0  }
0x88: {  	[sflag:s18] =	ssyncadd.s32 $0xFFFFC000  }
0x89: {  	_ =	sfence.sel $0x180000  }
0x8a: {  	[bflag:$0x0] =	sbarrier.arrive $0xFFFF  }
0x8b: {  	_ =	strace $0x90000047  }
0x8c: {  	s0 =	stileid.u32;
	[bflag:$0x2] =	sbarrier.arrive $0xFFFF  }
0x8d: {  	p0 =	sne.s32 s0, $0x0;
	s0 =	rddreg [dreg:$0x3]  }
0x8e: {  	s0 =	sadd.s32 @!p0 $0x100000, s0  }
0x8f: {  	[sflag:s0] =	ssyncadd.tile.s32 @!p0 $0x1;
	_ =	shalt  }
.Lfunc_end2:
_tile_overlayer_lowered:
.L_overlay_start_2:
0x90: {  	(tag) =	ssettag $0x2  }
0x91: {  	s0 =	rddreg [dreg:$0x0];
	s2 =	stileid.u32  }
0x92: {  	s1 =	rddreg [dreg:$0x1];
	p0 =	sne.s32 s2, $0x0  }
0x93: {  	s3 =	rddreg [dreg:$0x2];
	[bflag:$0x3] =	sbarrier.arrive $0xFFFF;
	s2 =	simm.s32 @!p0 $0x1C0D  }
0x94: {  	[timem:s3], [sflag:s2] =	dma.local @!p0 [hbm:s0], s1  }
0x95: {  	s0 =	simm.s32 @!p0 $0xD  }
0x96: {  	_ =	swait.ge @!p0 [sflag:s0], s1  }
0x97: {  	s1 =	ssub.s32 @!p0 $0x0, s1;
	[sflag:s0] =	ssyncset.done @!p0 $0x0  }
0x98: {  	[sflag:s0] =	ssyncadd.s32 @!p0 s1  }
0x99: {  	[bflag:$0x3] =	sbarrier.arrive $0xFFFF  }
0x9a: {  	_ =	shalt  }

</sc_bundles>
